<compile_context>
chip_gen: v7x
topology: tpu7x:2x2x1
jax: 0.10.2.dev20260603
libtpu: 0.0.44.dev20260713+nightly
codegen_flags: <defaults>
</compile_context>

<pallas_src>
import jax
import jax.numpy as jnp
from jax.experimental import pallas as pl

_NUM_CLASSES = 80
_K = 300
_LANES = 128


def _topk_kernel(x_ref, scores_ref, idx_ref):
    x = x_ref[0]
    R, L = x.shape
    row_iota = jax.lax.broadcasted_iota(jnp.int32, (R, L), 0)
    col_iota = jax.lax.broadcasted_iota(jnp.int32, (R, L), 1)
    flat_iota = row_iota * L + col_iota
    k_iota = jax.lax.broadcasted_iota(jnp.int32, (_K, L), 0)
    big = jnp.int32(2**31 - 1)
    neg = jnp.float32(-jnp.inf)

    def body(i, carry):
        x, vals, idxs = carry
        m = jnp.max(x)
        amin = jnp.min(jnp.where(x == m, flat_iota, big))
        sel = k_iota == i
        vals = jnp.where(sel, m, vals)
        idxs = jnp.where(sel, amin, idxs)
        x = jnp.where(flat_iota == amin, neg, x)
        return x, vals, idxs

    init = (
        x,
        jnp.zeros((_K, L), jnp.float32),
        jnp.zeros((_K, L), jnp.int32),
    )
    _, vals, idxs = jax.lax.fori_loop(0, _K, body, init)
    scores_ref[0] = jax.nn.sigmoid(vals)
    idx_ref[0] = idxs


def kernel(pred_logits, pred_boxes, orig_target_sizes):
    B, Q, C = pred_logits.shape
    QC = Q * C
    R = QC // _LANES
    flat = pred_logits.reshape(B, R, _LANES)
    scores_t, idx_t = pl.pallas_call(
        _topk_kernel,
        grid=(B,),
        in_specs=[pl.BlockSpec((1, R, _LANES), lambda b: (b, 0, 0))],
        out_specs=[
            pl.BlockSpec((1, _K, _LANES), lambda b: (b, 0, 0)),
            pl.BlockSpec((1, _K, _LANES), lambda b: (b, 0, 0)),
        ],
        out_shape=[
            jax.ShapeDtypeStruct((B, _K, _LANES), jnp.float32),
            jax.ShapeDtypeStruct((B, _K, _LANES), jnp.int32),
        ],
    )(flat)
    scores = scores_t[:, :, 0]
    index_flat = idx_t[:, :, 0]

    labels = index_flat % C
    query_indices = index_flat // C

    top_raw = jnp.take_along_axis(pred_boxes, query_indices[:, :, None], axis=1)
    cx, cy, w, h = jnp.split(top_raw, 4, axis=-1)
    xyxy = jnp.concatenate(
        [cx - 0.5 * w, cy - 0.5 * h, cx + 0.5 * w, cy + 0.5 * h], axis=-1
    )
    img_wh = orig_target_sizes[:, None, :]
    scale_fct = jnp.concatenate([img_wh, img_wh], axis=2)
    top_boxes = xyxy * scale_fct
    return scores, labels, top_boxes

# --- scband reference (transcript-rebuilt; emitter-appended) ---
"""Pipeline reference for scband-rtdetrpost-processor-28561532518424 (READ-ONLY COPY).

The authoritative reference and input builder live on the scoring server;
editing this copy changes nothing except your own understanding.
"""

import jax, jax.numpy as jnp
import numpy as np

NUM_CLASSES = 80
NUM_TOP_QUERIES = 300


def setup_inputs(seed: int = 0) -> dict:
    key = jax.random.key(seed)
    k1, k2, k3 = jax.random.split(key, 3)
    pred_logits = jax.random.normal(k1, (64, 5000, 80), dtype=jnp.float32)
    pred_boxes = jax.random.uniform(k2, (64, 5000, 4), dtype=jnp.float32)
    orig_target_sizes = jax.random.uniform(k3, (64, 2), dtype=jnp.float32) * 1024.0
    return {
        "pred_logits": pred_logits,
        "pred_boxes": pred_boxes,
        "orig_target_sizes": orig_target_sizes,
    }


def _box_cxcywh_to_xyxy(boxes):
    cx, cy, w, h = jnp.split(boxes, 4, axis=-1)
    return jnp.concatenate([cx - 0.5 * w, cy - 0.5 * h, cx + 0.5 * w, cy + 0.5 * h], axis=-1)


def reference(pred_logits, pred_boxes, orig_target_sizes):
    # scale factors [B, 1, 4]
    img_wh = orig_target_sizes[:, None, :]
    scale_fct = jnp.concatenate([img_wh, img_wh], axis=2)
    boxes_abs_xyxy = _box_cxcywh_to_xyxy(pred_boxes) * scale_fct

    # focal-loss path: sigmoid scores over all (query, class) pairs, global top-k
    scores_all_classes = jax.nn.sigmoid(pred_logits)
    B, Q, C = scores_all_classes.shape
    scores_flat = scores_all_classes.reshape(B, Q * C)
    k = min(NUM_TOP_QUERIES, Q * C)
    scores, index_flat = jax.lax.top_k(scores_flat, k)
    labels = index_flat % NUM_CLASSES
    query_indices = index_flat // NUM_CLASSES

    # gather top boxes: [B, k, 4]
    top_boxes = jnp.take_along_axis(boxes_abs_xyxy, query_indices[:, :, None], axis=1)
    return scores, labels, top_boxes

if __name__ == "__main__":
    import jax
    _d = setup_inputs()
    print(jax.jit(kernel)(*tuple(_d.values())))

</pallas_src>

<mosaic_0001>
module attributes {stable_mosaic.version = 14 : i64} {
  func.func @_topk_kernel(%arg0: i32, %arg1: memref<1x3125x128xf32, #tpu.memory_space<vmem>>, %arg2: memref<1x300x128xf32, #tpu.memory_space<vmem>>, %arg3: memref<1x300x128xi32, #tpu.memory_space<vmem>>) attributes {dimension_semantics = [#tpu.dimension_semantics<arbitrary>], iteration_bounds = array<i64: 64>, scalar_prefetch = 0 : i64, scratch_operands = 0 : i64, tpu.core_type = #tpu.core_type<tc>, window_params = [{transform_indices = @transform_0, window_bounds = array<i64: 1, 3125, 128>}, {transform_indices = @transform_1, window_bounds = array<i64: 1, 300, 128>}, {transform_indices = @transform_2, window_bounds = array<i64: 1, 300, 128>}]} {
    %get3A = arith.constant 0 : index
    %get3A_0 = arith.constant 0 : index
    %get3A_1 = arith.constant 0 : index
    %get3A_2 = vector.load %arg1[%get3A, %get3A_0, %get3A_1] : memref<1x3125x128xf32, #tpu.memory_space<vmem>>, vector<1x3125x128xf32>
    %get3A_3 = vector.shape_cast %get3A_2 : vector<1x3125x128xf32> to vector<3125x128xf32>
    %iota3A = tpu.iota {dimensions = array<i32: 0>} : vector<3125x128xi32>
    %iota3A_4 = tpu.iota {dimensions = array<i32: 1>} : vector<3125x128xi32>
    %mul3A = arith.constant 128 : i32
    %mul3A_5 = vector.broadcast %mul3A : i32 to vector<3125x128xi32>
    %mul3A_6 = arith.muli %iota3A, %mul3A_5 : vector<3125x128xi32>
    %add3A = arith.addi %mul3A_6, %iota3A_4 : vector<3125x128xi32>
    %iota3A_7 = tpu.iota {dimensions = array<i32: 0>} : vector<300x128xi32>
    %broadcast_in_dim3A = arith.constant 0.000000e+00 : f32
    %broadcast_in_dim3A_8 = vector.broadcast %broadcast_in_dim3A : f32 to vector<300x128xf32>
    %broadcast_in_dim3A_9 = arith.constant 0 : i32
    %broadcast_in_dim3A_10 = vector.broadcast %broadcast_in_dim3A_9 : i32 to vector<300x128xi32>
    %scan3A = arith.constant 2147483647 : i32
    %scan3A_11 = arith.constant 0xFF800000 : f32
    %scan3A_12 = arith.constant 0 : i32
    %scan3A_13 = arith.constant 300 : i32
    %scan3A_14 = arith.addi %scan3A_12, %scan3A_13 : i32
    %scan3A_15 = arith.constant 1 : i32
    %scan3A_16:3 = scf.for %scan3A_34 = %scan3A_12 to %scan3A_14 step %scan3A_15 iter_args(%scan3A_35 = %get3A_3, %scan3A_36 = %broadcast_in_dim3A_8, %scan3A_37 = %broadcast_in_dim3A_10) -> (vector<3125x128xf32>, vector<300x128xf32>, vector<300x128xi32>)  : i32 {
      %reduce_max3A = vector.shape_cast %scan3A_35 : vector<3125x128xf32> to vector<1x3125x128xf32>
      %reduce_max3A_38 = arith.constant dense<0xFF800000> : vector<1xf32>
      %reduce_max3A_39 = vector.multi_reduction <maximumf>, %reduce_max3A, %reduce_max3A_38 [1, 2] : vector<1x3125x128xf32> to vector<1xf32>
      %reduce_max3A_40 = vector.shape_cast %reduce_max3A_39 : vector<1xf32> to vector<1x1x1xf32>
      %reduce_max3A_41 = vector.extract %reduce_max3A_40[0, 0, 0] : f32 from vector<1x1x1xf32>
      %eq3A = vector.broadcast %reduce_max3A_41 : f32 to vector<3125x128xf32>
      %eq3A_42 = arith.cmpf oeq, %scan3A_35, %eq3A : vector<3125x128xf32>
      %broadcast_in_dim3A_43 = vector.broadcast %scan3A : i32 to vector<3125x128xi32>
      %select_n3A = arith.select %eq3A_42, %add3A, %broadcast_in_dim3A_43 : vector<3125x128xi1>, vector<3125x128xi32>
      %reduce_min3A = vector.shape_cast %select_n3A : vector<3125x128xi32> to vector<1x3125x128xi32>
      %reduce_min3A_44 = arith.constant dense<2147483647> : vector<1xi32>
      %reduce_min3A_45 = vector.multi_reduction <minsi>, %reduce_min3A, %reduce_min3A_44 [1, 2] : vector<1x3125x128xi32> to vector<1xi32>
      %reduce_min3A_46 = vector.shape_cast %reduce_min3A_45 : vector<1xi32> to vector<1x1x1xi32>
      %reduce_min3A_47 = vector.extract %reduce_min3A_46[0, 0, 0] : i32 from vector<1x1x1xi32>
      %eq3A_48 = vector.broadcast %scan3A_34 : i32 to vector<300x128xi32>
      %eq3A_49 = arith.cmpi eq, %iota3A_7, %eq3A_48 : vector<300x128xi32>
      %broadcast_in_dim3A_50 = vector.broadcast %reduce_max3A_41 : f32 to vector<300x128xf32>
      %select_n3A_51 = arith.select %eq3A_49, %broadcast_in_dim3A_50, %scan3A_36 : vector<300x128xi1>, vector<300x128xf32>
      %broadcast_in_dim3A_52 = vector.broadcast %reduce_min3A_47 : i32 to vector<300x128xi32>
      %select_n3A_53 = arith.select %eq3A_49, %broadcast_in_dim3A_52, %scan3A_37 : vector<300x128xi1>, vector<300x128xi32>
      %eq3A_54 = vector.broadcast %reduce_min3A_47 : i32 to vector<3125x128xi32>
      %eq3A_55 = arith.cmpi eq, %add3A, %eq3A_54 : vector<3125x128xi32>
      %broadcast_in_dim3A_56 = vector.broadcast %scan3A_11 : f32 to vector<3125x128xf32>
      %select_n3A_57 = arith.select %eq3A_55, %broadcast_in_dim3A_56, %scan3A_35 : vector<3125x128xi1>, vector<3125x128xf32>
      scf.yield %select_n3A_57, %select_n3A_51, %select_n3A_53 : vector<3125x128xf32>, vector<300x128xf32>, vector<300x128xi32>
    }
    %scan3A_17 = arith.constant 300 : i32
    %logistic3A = arith.negf %scan3A_16#1 : vector<300x128xf32>
    %logistic3A_18 = math.exp %logistic3A : vector<300x128xf32>
    %logistic3A_19 = arith.constant 1.000000e+00 : f32
    %logistic3A_20 = vector.broadcast %logistic3A_19 : f32 to vector<300x128xf32>
    %logistic3A_21 = arith.addf %logistic3A_20, %logistic3A_18 : vector<300x128xf32>
    %logistic3A_22 = arith.divf %logistic3A_20, %logistic3A_21 : vector<300x128xf32>
    %swap3A = arith.constant 0 : index
    %swap3A_23 = arith.constant 0 : index
    %swap3A_24 = arith.constant 0 : index
    %swap3A_25 = vector.load %arg2[%swap3A, %swap3A_23, %swap3A_24] : memref<1x300x128xf32, #tpu.memory_space<vmem>>, vector<1x300x128xf32>
    %swap3A_26 = vector.shape_cast %swap3A_25 : vector<1x300x128xf32> to vector<300x128xf32>
    %swap3A_27 = vector.shape_cast %logistic3A_22 : vector<300x128xf32> to vector<1x300x128xf32>
    tpu.vector_store %arg2[%swap3A, %swap3A_23, %swap3A_24], %swap3A_27 {strides = array<i32>} : memref<1x300x128xf32, #tpu.memory_space<vmem>>, vector<1x300x128xf32>,
    %swap3A_28 = arith.constant 0 : index
    %swap3A_29 = arith.constant 0 : index
    %swap3A_30 = arith.constant 0 : index
    %swap3A_31 = vector.load %arg3[%swap3A_28, %swap3A_29, %swap3A_30] : memref<1x300x128xi32, #tpu.memory_space<vmem>>, vector<1x300x128xi32>
    %swap3A_32 = vector.shape_cast %swap3A_31 : vector<1x300x128xi32> to vector<300x128xi32>
    %swap3A_33 = vector.shape_cast %scan3A_16#2 : vector<300x128xi32> to vector<1x300x128xi32>
    tpu.vector_store %arg3[%swap3A_28, %swap3A_29, %swap3A_30], %swap3A_33 {strides = array<i32>} : memref<1x300x128xi32, #tpu.memory_space<vmem>>, vector<1x300x128xi32>,
    return
  }
  func.func @transform_0(%arg0: i32) -> (i32, i32, i32) {
    %c0_i32 = arith.constant 0 : i32
    %c0_i32_0 = arith.constant 0 : i32
    %c0_i32_1 = arith.constant 0 : i32
    return %arg0, %c0_i32, %c0_i32_0 : i32, i32, i32
  }
  func.func @transform_1(%arg0: i32) -> (i32, i32, i32) {
    %c0_i32 = arith.constant 0 : i32
    %c0_i32_0 = arith.constant 0 : i32
    %c0_i32_1 = arith.constant 0 : i32
    return %arg0, %c0_i32, %c0_i32_0 : i32, i32, i32
  }
  func.func @transform_2(%arg0: i32) -> (i32, i32, i32) {
    %c0_i32 = arith.constant 0 : i32
    %c0_i32_0 = arith.constant 0 : i32
    %c0_i32_1 = arith.constant 0 : i32
    return %arg0, %c0_i32, %c0_i32_0 : i32, i32, i32
  }
}

</mosaic_0001>

<sc_bundles>
// kernel: gather_offload_async_start
scs
__scs_entry_jumppad:
0x0: {  	(pc) =	sbr.rel $0x88, $3  }
0x1: {  	(tag) =	ssettag $0x0;
	lr =	simm.s32 $0x1  }
0x2: {  	[smem:$0x3F9E] =	sst lr;
	_ =	strace $0xD0000000  }
0x3: {  	_ = 	snop  }
0x4: {  	_ = 	snop  }
0x5: {  	_ = 	snop  }
0x6: {  	_ = 	snop  }
0x7: {  	_ = 	snop  }
__scs_overlays_trampoline_lowered:
0x8: {  	[smem:$0x3FAD] =	sst s0  }
0x9: {  	[smem:$0x3FAE] =	sst s1  }
0xa: {  	[smem:$0x3FAF] =	sst s2  }
0xb: {  	[smem:$0x3FB0] =	sst s3  }
0xc: {  	[smem:$0x3FB1] =	sst s4  }
0xd: {  	[smem:$0x3FB2] =	sst s5  }
0xe: {  	[smem:$0x3FB3] =	sst s6  }
0xf: {  	[smem:$0x3FB4] =	sst s7  }
0x10: {  	[smem:$0x3FB5] =	sst s8  }
0x11: {  	[smem:$0x3FB6] =	sst s9;
	s0 =	simm.s32 @!p0 $0x0  }
0x12: {  	s1 =	sld [smem:$0x3F9C];
	s0 =	simm.s32 @p0 $0x1  }
0x13: {  	[smem:$0x3FB7] =	sst s0;
	s0 =	simm.s32 @!p1 $0x0  }
0x14: {  	s2 =	sld [smem:$0x3F9B];
	s0 =	simm.s32 @p1 $0x1  }
0x15: {  	[smem:$0x3FB8] =	sst s0;
	s0 =	simm.s32 @!p2 $0x0  }
0x16: {  	s3 =	sld [smem:$0x3FDB];
	s0 =	simm.s32 @p2 $0x1  }
0x17: {  	s4 =	simm.s32 $0x1BF5;
	[smem:$0x3FBA] =	sst s0  }
0x18: {  	s0 =	sld [smem:$0x3F9D];
	_ =	swait.ge [sflag:s4], $0x0  }
0x19: {  	s7 =	sld [smem:$0x3F9E]  }
0x1a: {  	s8 =	sadd.s32 $0xFFFFE003, lr  }
0x1b: {  	s9 =	sadd.s32 $0xFFFFFEF7, lr;
	s5 =	simm.s32 $0xFFFFFFFF;
	p2 =	slt.u32 s8, $0xFFFFF086  }
0x1c: {  	p1 =	slt.u32 s9, $0xF7A;
	s5 =	simm.s32 @!p2 $0x0  }
0x1d: {  	s5 =	simm.s32 @p1 $0x1;
	p0 =	seq.s32 s7, s2  }
0x1e: {  	s7 =	smul.u32 @!p0 $0xF7A, s2;
	p2 =	seq.s32 @!p0 s5, $0x0  }
0x1f: {  	s9 =	smul.u32 $0xF7A, s1;
	s8 =	simm.s32 @!p0 $0x1BF5;
	p2 =	por !p2, p0  }
0x20: {  	[sflag:s8] =	ssyncset.s32 @!p0 $0xFFFFF086;
	s6 =	sadd.s32 @!p0 s3, s7;
	s7 =	simm.s32 @!p0 $0x108  }
0x21: {  	s3 =	sadd.s32 s3, s9;
	s6 =	sadd.s32 @!p0 $0x88, s6;
	s7 =	simm.s32 @p2 $0x1082  }
0x22: {  	[simem:s7], [sflag:s8] =	dma.local @!p0 [hbm:s6], $0xF7A  }
0x23: {  	s9 =	sor.u32 $0xD0000000, s2;
	s6 =	simm.s32 $0x108;
	_ =	swait.ge @!p0 [sflag:s8], $0x0  }
0x24: {  	s3 =	sadd.s32 $0x88, s3;
	s6 =	simm.s32 @!p1 $0x1082;
	[sflag:s4] =	ssyncset.s32 $0xFFFFF086  }
0x25: {  	[simem:s6], [sflag:s4] =	dma.local [hbm:s3], $0xF7A  }
0x26: {  	[smem:$0x3F9E] =	sst s1;
	(tag) =	ssettag s2;
	_ =	strace s9  }
0x27: {  	s1 =	sld [smem:$0x3FAE]  }
0x28: {  	s2 =	sld [smem:$0x3FAF]  }
0x29: {  	s4 =	sld [smem:$0x3FB1]  }
0x2a: {  	p0 =	seq.s32 s5, $0x0;
	s5 =	sld [smem:$0x3FB2]  }
0x2b: {  	s6 =	sld [smem:$0x3FB3]  }
0x2c: {  	s7 =	sld [smem:$0x3FB4]  }
0x2d: {  	s3 =	simm.s32 $0x108;
	s8 =	sld [smem:$0x3FB5]  }
0x2e: {  	s3 =	simm.s32 @!p0 $0x1082;
	s9 =	sld [smem:$0x3FB6]  }
0x2f: {  	lr =	sadd.s32 s0, s3;
	s0 =	sld [smem:$0x3FAD]  }
0x30: {  	s3 =	sld [smem:$0x3FB0]  }
0x31: {  	[smem:$0x3FB9] =	sst s10  }
0x32: {  	s10 =	sld [smem:$0x3FB7];
	_ =	sdelay $0x3  }
0x33: {  	p0 =	seq.s32 s10, $0x1;
	s10 =	sld [smem:$0x3FB9];
	_ =	sdelay $0x3  }
0x34: {  	[smem:$0x3FB9] =	sst s10  }
0x35: {  	s10 =	sld [smem:$0x3FB8];
	_ =	sdelay $0x3  }
0x36: {  	p1 =	seq.s32 s10, $0x1;
	s10 =	sld [smem:$0x3FB9];
	_ =	sdelay $0x3  }
0x37: {  	[smem:$0x3FB9] =	sst s10  }
0x38: {  	s10 =	sld [smem:$0x3FBA]  }
0x39: {  	_ = 	snop;
	(pc) =	sbr.ind lr, $3  }
0x3a: {  	_ = 	snop  }
0x3b: {  	_ = 	snop  }
0x3c: {  	p2 =	seq.s32 s10, $0x1;
	s10 =	sld [smem:$0x3FB9]  }
0x3d: {  	_ =	shalt  }
0x3e: {  	_ =	shalt  }
0x3f: {  	_ =	shalt  }
0x40: {  	_ =	shalt  }
0x41: {  	_ =	shalt  }
0x42: {  	_ =	shalt  }
0x43: {  	_ =	shalt  }
0x44: {  	_ =	shalt  }
0x45: {  	_ =	shalt  }
0x46: {  	_ =	shalt  }
0x47: {  	_ =	shalt  }
0x48: {  	_ =	shalt  }
0x49: {  	_ =	shalt  }
0x4a: {  	_ =	shalt  }
0x4b: {  	_ =	shalt  }
0x4c: {  	_ =	shalt  }
0x4d: {  	_ =	shalt  }
0x4e: {  	_ =	shalt  }
0x4f: {  	_ =	shalt  }
0x50: {  	_ =	shalt  }
0x51: {  	_ =	shalt  }
0x52: {  	_ =	shalt  }
0x53: {  	_ =	shalt  }
0x54: {  	_ =	shalt  }
0x55: {  	_ =	shalt  }
0x56: {  	_ =	shalt  }
0x57: {  	_ =	shalt  }
0x58: {  	_ =	shalt  }
0x59: {  	_ =	shalt  }
0x5a: {  	_ =	shalt  }
0x5b: {  	_ =	shalt  }
0x5c: {  	_ =	shalt  }
0x5d: {  	_ =	shalt  }
0x5e: {  	_ =	shalt  }
0x5f: {  	_ =	shalt  }
0x60: {  	_ =	shalt  }
0x61: {  	_ =	shalt  }
0x62: {  	_ =	shalt  }
0x63: {  	_ =	shalt  }
0x64: {  	_ =	shalt  }
0x65: {  	_ =	shalt  }
0x66: {  	_ =	shalt  }
0x67: {  	_ =	shalt  }
0x68: {  	_ =	shalt  }
0x69: {  	_ =	shalt  }
0x6a: {  	_ =	shalt  }
0x6b: {  	_ =	shalt  }
0x6c: {  	_ =	shalt  }
0x6d: {  	_ =	shalt  }
0x6e: {  	_ =	shalt  }
0x6f: {  	_ =	shalt  }
0x70: {  	_ =	shalt  }
0x71: {  	_ =	shalt  }
0x72: {  	_ =	shalt  }
0x73: {  	_ =	shalt  }
0x74: {  	_ =	shalt  }
0x75: {  	_ =	shalt  }
0x76: {  	_ =	shalt  }
0x77: {  	_ =	shalt  }
0x78: {  	_ =	shalt  }
0x79: {  	_ =	shalt  }
0x7a: {  	_ =	shalt  }
0x7b: {  	_ =	shalt  }
0x7c: {  	_ =	shalt  }
0x7d: {  	_ =	shalt  }
0x7e: {  	_ =	shalt  }
0x7f: {  	_ =	shalt  }
0x80: {  	_ =	shalt  }
0x81: {  	_ =	shalt  }
0x82: {  	_ =	shalt  }
0x83: {  	_ =	shalt  }
0x84: {  	_ =	shalt  }
0x85: {  	_ =	shalt  }
0x86: {  	_ =	shalt  }
0x87: {  	_ =	shalt  }
.Lfunc_end0:
.L_simem_size_0:
called_computation_lowered:
.L_overlay_start_0:
0x88: {  	s2 =	sld [smem:$0x3FD9]  }
0x89: {  	s3 =	sld [smem:$0x3FFE];
	_ =	sdelay $0x1  }
0x8a: {  	s1 =	srdreg.scid  }
0x8b: {  	s0 =	sand.u32 $0x1, s1  }
0x8c: {  	s14 =	sshll.u32 s0, $0xA;
	s2 =	sadd.s32 s3, s2  }
0x8d: {  	s2 =	sadd.s32 s2, s14  }
0x8e: {  	[smem:$0x3FC5] =	sst s2  }
0x8f: {  	_ = 	snop  }
0x90: {  	s2 =	sld [smem:$0x3FD0];
	_ =	sdelay $0x2  }
0x91: {  	s4 =	simm.s32 $0xA;
	s5 =	simm.s32 $0x10;
	s15 =	sld [smem:$0x3FC8]  }
0x92: {  	[smem:s5], [sflag:s4] =	dma.local [hbm:s2], $0x1  }
0x93: {  	_ =	swait.eq [sflag:s4], $0x1  }
0x94: {  	[sflag:s4] =	ssyncset.done $0x0  }
0x95: {  	[sflag:s4] =	ssyncadd.s32 $0xFFFFFFFF  }
0x96: {  	s16 =	sld [smem:$0x12];
	(tm) =	ssettm $0x1  }
0x97: {  	s17 =	sld [smem:$0x3FFB];
	_ =	sdelay $0x3  }
0x98: {  	_ =	strace s17  }
0x99: {  	s4 =	sld [smem:$0x3FFC];
	_ =	sdelay $0x3  }
0x9a: {  	_ =	strace s4  }
0x9b: {  	s4 =	sld [smem:$0x3FFD];
	_ =	sdelay $0x3  }
0x9c: {  	_ =	strace s4  }
0x9d: {  	_ =	strace $0x8FFFFFFF  }
0x9e: {  	s18 =	sld [smem:$0x3FDB];
	_ =	sdelay $0x1  }
0x9f: {  	s19 =	simm.s32 $_scs_section_size  }
0xa0: {  	s6 =	simm.s32 $_size__tile_overlayer_lowered;
	s7 =	simm.s32 $_tile_overlayer_lowered  }
0xa1: {  	s22 =	simm.s32 $0x1BFF;
	s21 =	sshll.u32 s7, $0x1;
	s4 =	sadd.s32 s19, s18  }
0xa2: {  	s8 =	simm.s32 $0x0;
	s20 =	sshll.u32 s6, $0x1;
	s6 =	sadd.s32 s21, s4  }
0xa3: {  	[timem:s8], [sflag:s22] =	dma.local [hbm:s6], s20  }
0xa4: {  	_ =	swait.ge [sflag:s22], s20  }
0xa5: {  	s5 =	ssub.s32 $0x0, s20;
	[sflag:s22] =	ssyncset.done $0x0  }
0xa6: {  	[sflag:s22] =	ssyncadd.s32 s5;
	_ =	sdelay $0x1  }
0xa7: {  	s23 =	simm.s32 $0x1B8B  }
0xa8: {  	_ =	swait.ge [sflag:s23], $0x1  }
0xa9: {  	[sflag:s23] =	ssyncset.done $0x0  }
0xaa: {  	s25 =	simm.s32 $0x1B8E;
	s24 =	sld [smem:$0x3FFE];
	[sflag:s23] =	ssyncadd.s32 $0xFFFFFFFF  }
0xab: {  	s26 =	simm.s32 $execute0_lowered;
	[smem:$0x3FD2] =	sst s25  }
0xac: {  	s6 =	sshll.u32 s26, $0x1;
	_ =	strace $0x80000046;
	[dreg:$0x1] =	wrdreg $0xFFFFFFFF  }
0xad: {  	s28 =	simm.s32 $_size_execute0_lowered;
	s4 =	sadd.s32 s4, s6;
	[dreg:$0x0] =	wrdreg $0x0  }
0xae: {  	s6 =	sshll.u32 s28, $0x1;
	[dreg:$0x2] =	wrdreg s4  }
0xaf: {  	[dreg:$0x3] =	wrdreg s6  }
0xb0: {  	[dreg:$0x4] =	wrdreg $0xC0  }
0xb1: {  	_ =	task [dreg:s8], $0x5FFFF  }
0xb2: {  	[dreg:$0x1] =	wrdreg $0xFFFFFFFF  }
0xb3: {  	[dreg:$0x0] =	wrdreg $0x60  }
0xb4: {  	[dreg:$0x2] =	wrdreg s15  }
0xb5: {  	[dreg:$0x3] =	wrdreg s24  }
0xb6: {  	[dreg:$0x4] =	wrdreg s16  }
0xb7: {  	[dreg:$0x5] =	wrdreg $0x9  }
0xb8: {  	_ =	task.clear_ibuf [dreg:s8], $0x6FFFF;
	_ =	strace $0x90000046  }
0xb9: {  	s29 =	simm.s32 $0x9;
	_ =	strace $0x80000048  }
0xba: {  	_ =	swait.ge [sflag:s29], $0x1  }
0xbb: {  	[sflag:s29] =	ssyncadd.s32 $0xFFFFFFFF  }
0xbc: {  	_ =	strace $0x90000048  }
0xbd: {  	_ =	sfence  }
0xbe: {  	s30 =	sld [smem:$0x0];
	_ =	sdelay $0x2  }
0xbf: {  	s31 =	sshll.u32 s1, $0xD;
	s1 =	sshrl.u32 s1, $0x2  }
0xc0: {  	s3 =	sand.u32 $0x4000, s31;
	s1 =	sadd.s32 s1, s30  }
0xc1: {  	s0 =	sor.u32 s3, s0;
	s1 =	sshll.u32 s1, $0x11  }
0xc2: {  	s0 =	sor.u32 s1, s0  }
0xc3: {  	s0 =	sadd.s32 $0x8F2B, s0  }
0xc4: {  	[sflag:s0] =	ssyncadd.remote.s32 $0x1  }
0xc5: {  	_ =	sfence.sel $0xFFFF  }
0xc6: {  	[dreg:$0x0] =	wrdreg $0xFFFFFFFF;
	(pc) =	sbr.abs _section_cstart, $3  }
0xc7: {  	[dreg:$0x1] =	wrdreg $0xFFFFFFFF  }
0xc8: {  	_ =	task.clear_ibuf [dreg:s8], $0x2FFFF;
	_ =	strace $0x9FFFFFFF  }
0xc9: {  	(tm) =	ssettm $0x7FFFFFFF  }
tec
execute0_lowered:
.L_overlay_start_1:
0x0: {  	(tag) =	ssettag $0x1  }
0x1: {  	s2 =	rddreg [dreg:$0x0];
	s0 =	stileid.u32  }
0x2: {  	s1 =	srdreg.scid;
	s7 =	rddreg [dreg:$0x1]  }
0x3: {  	s3 =	rddreg [dreg:$0x2];
	s1 =	sand.u32 $0x1, s1;
	s4 =	sshll.u32 s0, $0x1  }
0x4: {  	s5 =	simm.s32 $0x1;
	s6 =	simm.s32 $0x2;
	s4 =	sor.u32 s4, s1  }
0x5: {  	s10 =	simm.s32 $0x0;
	s12 =	simm.s32 $0x0;
	s4 =	smul.u32 $0x280, s4  }
.Ltmp0:
0x6: {  	s1 =	rddreg [dreg:$0x3];
	_ =	strace $0x80000047;
	(pc) =	sbr.rel .LBB2_1-.Ltmp0, $4  }
0x7: {  	s11 =	simm.s32 $0x0;
	[sflag:s5] =	ssyncpa.u1 $0x0;
	s8 =	sshrl.u32 s4, $0x3  }
0x8: {  	[sflag:s6] =	ssyncpa.u1 $0x0;
	s9 =	sadd.s32 s8, s7;
	s7 =	simm.s32 $0x3  }
0x9: {  	p0 =	sne.s32 s0, $0xF;
	s8 =	simm.s32 $0x1;
	[sflag:s7] =	ssyncpa.u1 $0x0  }
0xa: {  	vm0 =	vmmov $0xffff;
	v0 =	vlaneseq.u32;
	s8 =	simm.s32 @!p0 $0x0;
	s7 =	simm.s32 @!p0 $0x2;
	s9 =	sadd.s32 $0x400, s9  }
.LBB2_4:
0xb: {  	_ =	sdelay $0x3  }
0xc: {  	[tilespmem:s21], [sflag:$0x1] =	stream.indirect_vreg.gather [hbm4b:s2+s10], $0x1, v1, vm0, $0x4038;
	[tilespmem:$0x1900] =	vst v63  }
0xd: {  	s14 =	sadd.s32 s18, s14  }
0xe: {  	v1 =	vld.msk [tilespmem:s14+$0x0 ss:$0x1], $0xffff;
	_ =	sdelay $0x4  }
0xf: {  	v2 =	vshrl.u32 v1, $0x6  }
0x10: {  	v3 =	vand.u32 $0x3F, v1;
	vm1 =	veq.s32 v1, $0x80000000;
	v1 =	vand.u32 $0x1FFF, v2  }
0x11: {  	p0 =	sgt.s32 s17, $0x0;
	v2 =	vmul.u32 $0x5000, v3;
	v1 =	vsel vm1, $0xFFFFFFFF, v1  }
0x12: {  	s17 =	simm.s32 @!p0 $0x0;
	v3 =	vshll.u32 v1, $0x2  }
0x13: {  	s28 =	smin.u32 s17, $0x10;
	v2 =	vsel vm1, $0xFFFFB000, v2;
	v3 =	vand.u32 $0xFFFFFE00, v3  }
0x14: {  	v1 =	vand.u32 $0x7F, v1;
	v2 =	vadd.s32 v2, v3;
	v3 =	vmov s28  }
0x15: {  	v1 =	vor.u32 v1, v2;
	vm1 =	vgt.u32 v3, v0  }
0x16: {  	v2 =	vnsel vm1, $0x7FFFFFFF, v1;
	_ =	sdelay $0x1  }
0x17: {  	s29 =	sand.u32 $0xE00, s15;
	v3 =	vor.u32 $0x80, v1  }
0x18: {  	s30 =	sand.u32 $0x70, s16;
	(ifvalue) =	ssetifvalue $0x7FFFFFFF;
	s14 =	sadd.s32 s29, s13;
	v3 =	vnsel vm1, $0x7FFFFFFF, v3  }
0x19: {  	s14 =	sadd.s32 s30, s14;
	(ifvalue) =	ssetifvalue $0x7FFFFFFF  }
0x1a: {  	v4 =	vor.u32 $0x100, v1;
	[tilespmem:s14], [sflag:$0x1] =	stream.indirect_vreg.gather [hbm4b:s2+s10], $0x1, v2, vm0, $0x4038;
	[tilespmem:$0x1900] =	vst v63  }
0x1b: {  	(ifvalue) =	ssetifvalue $0x7FFFFFFF;
	v2 =	vnsel vm1, $0x7FFFFFFF, v4  }
0x1c: {  	s15 =	sadd.s32 $0x80, s14;
	(ifvalue) =	ssetifvalue $0x7FFFFFFF  }
0x1d: {  	v1 =	vor.u32 $0x180, v1;
	[tilespmem:s15], [sflag:$0x1] =	stream.indirect_vreg.gather [hbm4b:s2+s10], $0x1, v3, vm0, $0x4038;
	[tilespmem:$0x1900] =	vst v63  }
0x1e: {  	v1 =	vnsel vm1, $0x7FFFFFFF, v1;
	(ifvalue) =	ssetifvalue $0x7FFFFFFF  }
0x1f: {  	s31 =	sadd.s32 $0x100, s14;
	(ifvalue) =	ssetifvalue $0x7FFFFFFF  }
0x20: {  	[tilespmem:s31], [sflag:$0x1] =	stream.indirect_vreg.gather [hbm4b:s2+s10], $0x1, v2, vm0, $0x4038;
	[tilespmem:$0x1900] =	vst v63  }
0x21: {  	(ifvalue) =	ssetifvalue $0x7FFFFFFF  }
0x22: {  	s14 =	sadd.s32 $0x180, s14;
	(ifvalue) =	ssetifvalue $0x7FFFFFFF  }
0x23: {  	[tilespmem:s14], [sflag:$0x1] =	stream.indirect_vreg.gather [hbm4b:s2+s10], $0x1, v1, vm0, $0x4038;
	[tilespmem:$0x1900] =	vst v63  }
0x24: {  	_ =	swait.ge [sflag:s5], $0xA00  }
0x25: {  	s12 =	sshrl.u32 s12, $0x1;
	[sflag:s5] =	ssyncset.done $0x0  }
0x26: {  	s12 =	sadd.s32 s3, s12;
	[sflag:s5] =	ssyncadd.s32 $0xFFFFF600  }
0x27: {  	[hbm:s12] =	stream.linear.scatter [tilespmem:s13], [sflag:$0x3], $0xA00, $0x38;
	[tilespmem:$0x1900] =	vst v63  }
.LBB2_5:
0x28: {  	p0 =	slt.u32 s11, $0x2;
	s11 =	sadd.s32 $0x1, s11  }
0x29: {  	p1 =	sne.s32 s11, s7  }
.Ltmp1:
0x2a: {  	_ = 	snop;
	(pc) =	sbr.rel @!p1 .LBB2_6-.Ltmp1, $4  }
0x2b: {  	s12 =	simm.s32 @!p0 $0x3  }
0x2c: {  	_ =	swait.ge @!p0 [sflag:s12], $0xA00  }
0x2d: {  	[sflag:s12] =	ssyncset.done @!p0 $0x0  }
0x2e: {  	[sflag:s12] =	ssyncadd.s32 @!p0 $0xFFFFF600;
	s12 =	smov.u32 s4  }
.LBB2_1:
0x2f: {  	p0 =	sge.u32 s11, s8  }
0x30: {  	s31 =	sadd.s32 $0xFFFFFFFF, s11;
	s13 =	simm.s32 @!p0 $0x0;
	s14 =	simm.s32 @!p0 $0x280  }
0x31: {  	[tilespmem:s14], [sflag:$0x2] =	stream.linear.gather @!p0 [hbm4b:s9+s13], $0x280, $0x38;
	[tilespmem:$0x1900] =	vst v63  }
0x32: {  	p0 =	sge.u32 s31, s8  }
.Ltmp2:
0x33: {  	_ = 	snop;
	(pc) =	sbr.rel @p0 .LBB2_5-.Ltmp2, $1  }
0x34: {  	_ =	sdelay $0x3  }
0x35: {  	s13 =	sand.u32 $0x1, s11  }
0x36: {  	p0 =	seq.s32 s13, $0x1;
	s13 =	simm.s32 $0xA00  }
0x37: {  	_ =	swait.ge [sflag:s6], $0x280;
	s13 =	simm.s32 @!p0 $0x0  }
0x38: {  	[sflag:s6] =	ssyncset.done $0x0;
	s14 =	sshrl.u32 s13, $0x2  }
0x39: {  	[sflag:s6] =	ssyncadd.s32 $0xFFFFFD80;
	s15 =	sadd.s32 $0x0, s14  }
0x3a: {  	v1 =	vld.msk [tilespmem:s15+$0x0 ss:$0x1], $0xffff;
	_ =	sdelay $0x3  }
0x3b: {  	s16 =	ssub.s32 $0x4B00, s12  }
0x3c: {  	p0 =	slt.s32 s16, $0x280;
	v2 =	vshrl.u32 v1, $0x6  }
0x3d: {  	s16 =	simm.s32 @!p0 $0x280;
	v3 =	vand.u32 $0x3F, v1;
	vm1 =	veq.s32 v1, $0x80000000;
	v1 =	vand.u32 $0x1FFF, v2  }
0x3e: {  	p0 =	sgt.s32 s16, $0x0;
	s15 =	smov.u32 s16;
	v2 =	vmul.u32 $0x5000, v3;
	v1 =	vsel vm1, $0xFFFFFFFF, v1  }
0x3f: {  	s15 =	simm.s32 @!p0 $0x0;
	v3 =	vshll.u32 v1, $0x2  }
0x40: {  	s15 =	smin.u32 s15, $0x10;
	v2 =	vsel vm1, $0xFFFFB000, v2;
	v3 =	vand.u32 $0xFFFFFE00, v3  }
0x41: {  	v1 =	vand.u32 $0x7F, v1;
	v2 =	vadd.s32 v2, v3;
	v3 =	vmov s15  }
0x42: {  	v1 =	vor.u32 v1, v2;
	vm1 =	vgt.u32 v3, v0  }
0x43: {  	v2 =	vnsel vm1, $0x7FFFFFFF, v1  }
0x44: {  	s31 =	simm.s32 $0x0  }
0x45: {  	s17 =	sand.u32 $0xE00, s31;
	s13 =	sor.u32 $0x500, s13;
	v3 =	vor.u32 $0x80, v1  }
0x46: {  	s17 =	sadd.s32 s17, s13;
	(ifvalue) =	ssetifvalue $0x7FFFFFFF;
	s15 =	sand.u32 $0x70, s31;
	v3 =	vnsel vm1, $0x7FFFFFFF, v3  }
0x47: {  	(ifvalue) =	ssetifvalue $0x7FFFFFFF;
	s19 =	sadd.s32 s15, s17  }
0x48: {  	v4 =	vor.u32 $0x100, v1;
	[tilespmem:s19], [sflag:$0x1] =	stream.indirect_vreg.gather [hbm4b:s2+s10], $0x1, v2, vm0, $0x4038;
	[tilespmem:$0x1900] =	vst v63  }
0x49: {  	(ifvalue) =	ssetifvalue $0x7FFFFFFF;
	v2 =	vnsel vm1, $0x7FFFFFFF, v4  }
0x4a: {  	s15 =	sadd.s32 $0x80, s19;
	(ifvalue) =	ssetifvalue $0x7FFFFFFF  }
0x4b: {  	v1 =	vor.u32 $0x180, v1;
	[tilespmem:s15], [sflag:$0x1] =	stream.indirect_vreg.gather [hbm4b:s2+s10], $0x1, v3, vm0, $0x4038;
	[tilespmem:$0x1900] =	vst v63  }
0x4c: {  	s18 =	simm.s32 $0x10;
	v1 =	vnsel vm1, $0x7FFFFFFF, v1;
	(ifvalue) =	ssetifvalue $0x7FFFFFFF  }
0x4d: {  	s20 =	simm.s32 $0x80;
	s17 =	sadd.s32 $0x100, s19;
	(ifvalue) =	ssetifvalue $0x7FFFFFFF  }
0x4e: {  	[tilespmem:s17], [sflag:$0x1] =	stream.indirect_vreg.gather [hbm4b:s2+s10], $0x1, v2, vm0, $0x4038;
	[tilespmem:$0x1900] =	vst v63  }
0x4f: {  	s21 =	sadd.s32 $0x180, s19;
	s15 =	simm.s32 $0x40;
	(ifvalue) =	ssetifvalue $0x7FFFFFFF  }
0x50: {  	s17 =	sadd.s32 $0xFFFFFFF0, s16;
	s16 =	simm.s32 $0x10;
	(ifvalue) =	ssetifvalue $0x7FFFFFFF  }
.LBB2_3:
0x51: {  	[tilespmem:s21], [sflag:$0x1] =	stream.indirect_vreg.gather [hbm4b:s2+s10], $0x1, v1, vm0, $0x4038;
	[tilespmem:$0x1900] =	vst v63  }
0x52: {  	s21 =	smov.u32 s20  }
0x53: {  	s19 =	sadd.s32 $0x40, s20;
	s22 =	sadd.s32 s18, s14;
	s18 =	sshra.s32 s21, $0x2  }
0x54: {  	p0 =	sne.s32 s20, $0x9C0;
	v1 =	vld.msk [tilespmem:s22+$0x0 ss:$0x1], $0xffff  }
0x55: {  	(ifvalue) =	ssetifvalue $0x7FFFFFFF;
	_ =	sdelay $0x4  }
0x56: {  	v2 =	vand.u32 $0x3F, v1;
	v3 =	vshrl.u32 v1, $0x6  }
0x57: {  	vm1 =	veq.s32 v1, $0x80000000;
	v1 =	vand.u32 $0x1FFF, v3;
	v2 =	vmul.u32 $0x5000, v2  }
0x58: {  	p1 =	sgt.s32 s17, $0x0;
	s20 =	smov.u32 s17;
	v1 =	vsel vm1, $0xFFFFFFFF, v1  }
0x59: {  	s20 =	simm.s32 @!p1 $0x0;
	v2 =	vsel vm1, $0xFFFFB000, v2;
	v3 =	vshll.u32 v1, $0x2  }
0x5a: {  	s20 =	smin.u32 s20, $0x10;
	v3 =	vand.u32 $0xFFFFFE00, v3  }
0x5b: {  	v1 =	vand.u32 $0x7F, v1;
	v2 =	vadd.s32 v2, v3;
	v3 =	vmov s20  }
0x5c: {  	v1 =	vor.u32 v1, v2;
	vm1 =	vgt.u32 v3, v0  }
0x5d: {  	v2 =	vnsel vm1, $0x7FFFFFFF, v1;
	v3 =	vor.u32 $0x80, v1;
	v4 =	vor.u32 $0x100, v1  }
0x5e: {  	v1 =	vor.u32 $0x180, v1  }
0x5f: {  	s20 =	sand.u32 $0xE00, s15;
	s15 =	smov.u32 s21  }
0x60: {  	s21 =	sand.u32 $0x70, s16;
	s20 =	sadd.s32 s20, s13;
	v3 =	vnsel vm1, $0x7FFFFFFF, v3  }
0x61: {  	s20 =	sadd.s32 s21, s20;
	(ifvalue) =	ssetifvalue $0x7FFFFFFF  }
0x62: {  	[tilespmem:s20], [sflag:$0x1] =	stream.indirect_vreg.gather [hbm4b:s2+s10], $0x1, v2, vm0, $0x4038;
	[tilespmem:$0x1900] =	vst v63  }
0x63: {  	v2 =	vnsel vm1, $0x7FFFFFFF, v4;
	(ifvalue) =	ssetifvalue $0x7FFFFFFF  }
0x64: {  	s21 =	sadd.s32 $0x80, s20;
	(ifvalue) =	ssetifvalue $0x7FFFFFFF  }
0x65: {  	[tilespmem:s21], [sflag:$0x1] =	stream.indirect_vreg.gather [hbm4b:s2+s10], $0x1, v3, vm0, $0x4038;
	[tilespmem:$0x1900] =	vst v63  }
.Ltmp3:
0x66: {  	v1 =	vnsel vm1, $0x7FFFFFFF, v1;
	(ifvalue) =	ssetifvalue $0x7FFFFFFF;
	(pc) =	sbr.rel @p0 .LBB2_3-.Ltmp3, $4  }
0x67: {  	s21 =	sadd.s32 $0x100, s20;
	(ifvalue) =	ssetifvalue $0x7FFFFFFF  }
0x68: {  	[tilespmem:s21], [sflag:$0x1] =	stream.indirect_vreg.gather [hbm4b:s2+s10], $0x1, v2, vm0, $0x4038;
	[tilespmem:$0x1900] =	vst v63  }
0x69: {  	s17 =	sadd.s32 $0xFFFFFFF0, s17;
	s16 =	sadd.s32 $0x10, s16;
	(ifvalue) =	ssetifvalue $0x7FFFFFFF  }
0x6a: {  	s21 =	sadd.s32 $0x180, s20;
	s20 =	smov.u32 s19;
	(ifvalue) =	ssetifvalue $0x7FFFFFFF  }
.Ltmp4:
0x6b: {  	_ = 	snop;
	(pc) =	sbr.rel .LBB2_4-.Ltmp4, $1  }
0x6c: {  	_ =	sdelay $0x3  }
.LBB2_6:
0x6d: {  	_ =	sfence.sel $0x180000  }
0x6e: {  	s2 =	simm.s32 $0x2;
	[bflag:$0x0] =	sbarrier.arrive $0xFFFF  }
0x6f: {  	s30 =	simm.s32 $0x3;
	[sflag:s2] =	ssyncpa.u1 $0x1  }
0x70: {  	s31 =	simm.s32 $0x1;
	[sflag:s30] =	ssyncpa.u1 $0x1  }
0x71: {  	[sflag:s31] =	ssyncpa.u1 $0x1  }
0x72: {  	p0 =	sne.s32 s0, $0x0;
	_ =	strace $0x90000047  }
0x73: {  	s0 =	sadd.s32 @!p0 $0x100000, s1;
	[bflag:$0x2] =	sbarrier.arrive $0xFFFF  }
0x74: {  	[sflag:s0] =	ssyncadd.tile.s32 @!p0 $0x1;
	_ =	shalt  }
.Lfunc_end2:
_tile_overlayer_lowered:
.L_overlay_start_2:
0x75: {  	(tag) =	ssettag $0x2  }
0x76: {  	s0 =	rddreg [dreg:$0x0];
	s2 =	stileid.u32  }
0x77: {  	s1 =	rddreg [dreg:$0x1];
	p0 =	sne.s32 s2, $0x0  }
0x78: {  	s3 =	rddreg [dreg:$0x2];
	[bflag:$0x3] =	sbarrier.arrive $0xFFFF;
	s2 =	simm.s32 @!p0 $0x1C01  }
0x79: {  	[timem:s3], [sflag:s2] =	dma.local @!p0 [hbm:s0], s1  }
0x7a: {  	s0 =	simm.s32 @!p0 $0x1  }
0x7b: {  	_ =	swait.ge @!p0 [sflag:s0], s1  }
0x7c: {  	s1 =	ssub.s32 @!p0 $0x0, s1;
	[sflag:s0] =	ssyncset.done @!p0 $0x0  }
0x7d: {  	[sflag:s0] =	ssyncadd.s32 @!p0 s1  }
0x7e: {  	[bflag:$0x3] =	sbarrier.arrive $0xFFFF  }
0x7f: {  	_ =	shalt  }

</sc_bundles>
